<compile_context>
chip_gen: v7x
topology: tpu7x:2x2x1
jax: 0.10.2.dev20260603
libtpu: 0.0.44.dev20260713+nightly
codegen_flags: <defaults>
</compile_context>

<pallas_src>
import functools

import jax
import jax.numpy as jnp
from jax import lax
from jax.experimental import pallas as pl
from jax.experimental.pallas import tpu as pltpu
from jax.experimental.pallas import tpu_sc as plsc

_B, _T, _C = 8, 1024, 32
_K = 8192
_N = _B * _T
_RB = 512
_NB = _N // _RB
_CK = 2048
_NK = _K // _CK

_NW = 32
_RPW = _N // _NW
_GC = 128
_CP = 128


def _argmin_body(enc_ref, dec_ref, cbt2_ref, code_ref):
    x = enc_ref[...] - dec_ref[...]
    xx = jnp.sum(x * x, axis=1, keepdims=True)
    xb = x.astype(jnp.bfloat16)
    iof = lax.broadcasted_iota(jnp.int32, (_RB, _CK), 1).astype(jnp.float32)

    bv = jnp.full((_RB, 1), jnp.inf, jnp.float32)
    bi = jnp.zeros((_RB, 1), jnp.int32)
    for k in range(_NK):
        cbt2 = cbt2_ref[:, k * _CK:(k + 1) * _CK]
        cc = jnp.sum(cbt2 * cbt2, axis=0, keepdims=True) * 0.25
        dotn = lax.dot_general(xb, cbt2.astype(jnp.bfloat16),
                               (((1,), (0,)), ((), ())),
                               preferred_element_type=jnp.float32)
        d = (xx + dotn) + cc
        lm = jnp.min(d, axis=1, keepdims=True)
        lif = jnp.min(jnp.where(d == lm, iof, jnp.float32(_K)),
                      axis=1, keepdims=True)
        li = lif.astype(jnp.int32) + (k * _CK)
        upd = lm < bv
        lmb = lm.astype(jnp.bfloat16).astype(jnp.float32)
        bv = jnp.where(upd, lmb, bv)
        bi = jnp.where(upd, li, bi)
    code_ref[...] = bi


def _tc_argmin(enc2, dec2, cbt, interpret=False):
    return pl.pallas_call(
        _argmin_body,
        grid=(_NB,),
        in_specs=[
            pl.BlockSpec((_RB, _C), lambda i: (i, 0)),
            pl.BlockSpec((_RB, _C), lambda i: (i, 0)),
            pl.BlockSpec((_C, _K), lambda i: (0, 0)),
        ],
        out_specs=pl.BlockSpec((_RB, 1), lambda i: (i, 0)),
        out_shape=jax.ShapeDtypeStruct((_N, 1), jnp.int32),
        interpret=interpret,
    )(enc2, dec2, cbt)


def _sc_body(enc_hbm, dec_hbm, cb_hbm, code_hbm, out_hbm, loss_hbm,
             idx_v, q_v, e_v, d_v, acc_v, sem):
    wid = lax.axis_index("s") * 2 + lax.axis_index("c")
    base = wid * _RPW
    pltpu.sync_copy(code_hbm.at[wid], idx_v)
    cp0 = pltpu.async_copy(cb_hbm.at[idx_v.at[0]], q_v.at[pl.ds(0, _GC)], sem)
    cp1 = pltpu.async_copy(cb_hbm.at[idx_v.at[1]], q_v.at[pl.ds(_GC, _GC)], sem)
    pltpu.sync_copy(enc_hbm.at[pl.ds(base, _RPW)], e_v)
    pltpu.sync_copy(dec_hbm.at[pl.ds(base, _RPW)], d_v)
    cp0.wait()
    cp1.wait()

    def row(r, acc):
        q0 = q_v[r, pl.ds(0, 16)]
        q1 = q_v[r, pl.ds(16, 16)]
        e0 = e_v[r, pl.ds(0, 16)]
        e1 = e_v[r, pl.ds(16, 16)]
        d0 = d_v[r, pl.ds(0, 16)]
        d1 = d_v[r, pl.ds(16, 16)]
        r0 = e0 - d0 - q0
        r1 = e1 - d1 - q1
        d_v[r, pl.ds(0, 16)] = d0 + q0
        d_v[r, pl.ds(16, 16)] = d1 + q1
        return acc + r0 * r0 + r1 * r1

    acc = lax.fori_loop(0, _RPW, row, jnp.zeros((16,), jnp.float32))
    acc_v[...] = acc
    pltpu.sync_copy(d_v, out_hbm.at[pl.ds(base, _RPW)])
    pltpu.sync_copy(acc_v, loss_hbm.at[wid])


def _sc_fuse(enc2, dec2, codebook, code3):
    mesh = plsc.VectorSubcoreMesh(core_axis_name="c", subcore_axis_name="s")
    kern = pl.kernel(
        _sc_body,
        mesh=mesh,
        out_type=[
            jax.ShapeDtypeStruct((_N, _C), jnp.float32),
            jax.ShapeDtypeStruct((_NW, 16), jnp.float32),
        ],
        scratch_types=[
            pltpu.VMEM((2, _GC), jnp.int32),
            pltpu.VMEM((_RPW, _CP), jnp.float32),
            pltpu.VMEM((_RPW, _C), jnp.float32),
            pltpu.VMEM((_RPW, _C), jnp.float32),
            pltpu.VMEM((16,), jnp.float32),
            pltpu.SemaphoreType.DMA,
        ],
    )
    return kern(enc2, dec2, codebook, code3)


def kernel(enc, dec, codebook):
    enc2 = enc.reshape(_N, _C)
    dec2 = dec.reshape(_N, _C)
    cbt2 = (-2.0) * codebook.T
    code = _tc_argmin(enc2, dec2, cbt2)
    code3 = code.reshape(_NW, 2, _GC)
    cbp = jnp.pad(codebook, ((0, 0), (0, _CP - _C)))
    out2, partials = _sc_fuse(enc2, dec2, cbp, code3)
    dec_refine = out2.reshape(_B, _T, _C)
    loss = jnp.sum(partials) / (_N * _C)
    return dec_refine, loss, loss, code.reshape(_B, _T)

# --- scband reference (transcript-rebuilt; emitter-appended) ---
"""Pipeline reference for scband-cross-scale-decoder-43241730736409 (READ-ONLY COPY).

The authoritative reference and input builder live on the scoring server;
editing this copy changes nothing except your own understanding.
"""

import jax, jax.numpy as jnp
import numpy as np

B, T, C = 8, 1024, 32
K = 8192

def setup_inputs(seed: int = 0) -> dict:
    key = jax.random.key(seed)
    k1, k2, k3 = jax.random.split(key, 3)
    enc = jax.random.normal(k1, (B, T, C), dtype=jnp.float32)
    dec = jax.random.normal(k2, (B, T, C), dtype=jnp.float32)
    codebook = jax.random.normal(k3, (K, C), dtype=jnp.float32)
    return {"enc": enc, "dec": dec, "codebook": codebook}

def reference(enc, dec, codebook):
    # pre_fuse: residual to quantize
    residual = enc - dec
    flat = residual.reshape(-1, C)  # (B*T, C)
    # nearest-neighbor codebook lookup (VQ)
    d = (jnp.sum(flat * flat, axis=1, keepdims=True)
         - 2.0 * flat @ codebook.T
         + jnp.sum(codebook * codebook, axis=1)[None, :])  # (B*T, K)
    code = jnp.argmin(d, axis=1)  # (B*T,)
    q = jnp.take(codebook, code, axis=0)  # gather (B*T, C)
    # commitment and codebook losses
    cm_loss = jnp.mean((flat - jax.lax.stop_gradient(q)) ** 2)
    cb_loss = jnp.mean((jax.lax.stop_gradient(flat) - q) ** 2)
    # straight-through estimator for quantized residual
    residual_q = flat + jax.lax.stop_gradient(q - flat)
    residual_q = residual_q.reshape(B, T, C)
    # post_fuse: add quantized residual back to decoded features
    dec_refine = residual_q + dec
    return dec_refine, cm_loss, cb_loss, code.reshape(B, T)

if __name__ == "__main__":
    import jax
    _d = setup_inputs()
    print(jax.jit(kernel)(*tuple(_d.values())))

</pallas_src>

<mosaic_0001>
#map = affine_map<(d0, d1) -> (0, 0)>
#map1 = affine_map<(d0, d1) -> (0, 0, 0)>
module attributes {stable_mosaic.version = 14 : i64} {
  func.func @_sc_body(%arg0: i32, %arg1: i32, %arg2: memref<8192x32xf32, #tpu.memory_space<hbm>>, %arg3: memref<8192x32xf32, #tpu.memory_space<hbm>>, %arg4: memref<8192x128xf32, #tpu.memory_space<hbm>>, %arg5: memref<32x2x128xi32, #tpu.memory_space<hbm>>, %arg6: memref<8192x32xf32, #tpu.memory_space<hbm>>, %arg7: memref<32x16xf32, #tpu.memory_space<hbm>>, %arg8: memref<2x128xi32, #tpu.memory_space<vmem>>, %arg9: memref<256x128xf32, #tpu.memory_space<vmem>>, %arg10: memref<256x32xf32, #tpu.memory_space<vmem>>, %arg11: memref<256x32xf32, #tpu.memory_space<vmem>>, %arg12: memref<16xf32, #tpu.memory_space<vmem>>, %arg13: memref<!tpu.dma_semaphore, #tpu.memory_space<semaphore_mem>>) attributes {dimension_semantics = [#tpu.dimension_semantics<core_parallel>, #tpu.dimension_semantics<subcore_parallel>], iteration_bounds = array<i64: 2, 16>, scalar_prefetch = 0 : i64, scratch_operands = 6 : i64, tpu.core_type = #tpu.core_type<sc_vector_subcore>, window_params = [{transform_indices = #map}, {transform_indices = #map}, {transform_indices = #map}, {transform_indices = #map1}, {transform_indices = #map}, {transform_indices = #map}]} {
    %mul3A = arith.constant 2 : i32
    %mul3A_0 = arith.muli %arg1, %mul3A : i32
    %add3A = arith.addi %mul3A_0, %arg0 : i32
    %mul3A_1 = arith.constant 256 : i32
    %mul3A_2 = arith.muli %add3A, %mul3A_1 : i32
    "tpu.region"() ({
      %run_scoped3A = tpu.sem_alloc : memref<!tpu.dma_semaphore, #tpu.memory_space<semaphore_mem>>
      %dma_start3A_50 = arith.constant 0 : i32
      %dma_start3A_51 = arith.constant 0 : i32
      %dma_start3A_52 = tpu.memref_slice %arg5[%add3A, %dma_start3A_50, %dma_start3A_51] : memref<32x2x128xi32, #tpu.memory_space<hbm>> -> memref<1x2x128xi32, #tpu.memory_space<hbm>>
      %dma_start3A_53 = tpu.memref_squeeze %dma_start3A_52 : memref<1x2x128xi32, #tpu.memory_space<hbm>> -> memref<2x128xi32, #tpu.memory_space<hbm>>
      %dma_start3A_54 = arith.constant 0 : i32
      %dma_start3A_55 = arith.constant 0 : i32
      %dma_start3A_56 = tpu.memref_slice %arg5[%add3A, %dma_start3A_54, %dma_start3A_55] : memref<32x2x128xi32, #tpu.memory_space<hbm>> -> memref<1x2x128xi32, #tpu.memory_space<hbm>>
      %dma_start3A_57 = tpu.memref_squeeze %dma_start3A_56 : memref<1x2x128xi32, #tpu.memory_space<hbm>> -> memref<2x128xi32, #tpu.memory_space<hbm>>
      tpu.enqueue_dma source(%dma_start3A_57 : memref<2x128xi32, #tpu.memory_space<hbm>>) target(%arg8 : memref<2x128xi32, #tpu.memory_space<vmem>>) target_semaphore(%run_scoped3A : memref<!tpu.dma_semaphore, #tpu.memory_space<semaphore_mem>>)
      %dma_wait3A_58 = arith.constant 0 : i32
      %dma_wait3A_59 = arith.constant 0 : i32
      %dma_wait3A_60 = tpu.memref_slice %arg5[%add3A, %dma_wait3A_58, %dma_wait3A_59] : memref<32x2x128xi32, #tpu.memory_space<hbm>> -> memref<1x2x128xi32, #tpu.memory_space<hbm>>
      %dma_wait3A_61 = tpu.memref_squeeze %dma_wait3A_60 : memref<1x2x128xi32, #tpu.memory_space<hbm>> -> memref<2x128xi32, #tpu.memory_space<hbm>>
      %dma_wait3A_62 = arith.constant 0 : i32
      %dma_wait3A_63 = arith.constant 0 : i32
      %dma_wait3A_64 = tpu.memref_slice %arg5[%add3A, %dma_wait3A_62, %dma_wait3A_63] : memref<32x2x128xi32, #tpu.memory_space<hbm>> -> memref<1x2x128xi32, #tpu.memory_space<hbm>>
      %dma_wait3A_65 = tpu.memref_squeeze %dma_wait3A_64 : memref<1x2x128xi32, #tpu.memory_space<hbm>> -> memref<2x128xi32, #tpu.memory_space<hbm>>
      tpu.wait_dma2 semaphore(%run_scoped3A : memref<!tpu.dma_semaphore, #tpu.memory_space<semaphore_mem>>) src(%dma_wait3A_65 : memref<2x128xi32, #tpu.memory_space<hbm>>) dst(%arg8 : memref<2x128xi32, #tpu.memory_space<vmem>>)
      tpu.yield
    }) : () -> ()
    %dma_start3A = arith.constant 0 : i32
    %dma_start3A_3 = arith.constant 0 : i32
    %dma_start3A_4 = arith.constant 0 : i32
    %dma_start3A_5 = tpu.memref_slice %arg9[%dma_start3A_3, %dma_start3A_4] : memref<256x128xf32, #tpu.memory_space<vmem>> -> memref<128x128xf32, #tpu.memory_space<vmem>>
    %dma_start3A_6 = arith.constant 0 : i32
    %dma_start3A_7 = tpu.memref_slice %arg8[%dma_start3A, %dma_start3A_6] : memref<2x128xi32, #tpu.memory_space<vmem>> -> memref<1x128xi32, #tpu.memory_space<vmem>>
    %dma_start3A_8 = tpu.memref_squeeze %dma_start3A_7 : memref<1x128xi32, #tpu.memory_space<vmem>> -> memref<128xi32, #tpu.memory_space<vmem>>
    %dma_start3A_9 = arith.constant 0 : i32
    %dma_start3A_10 = arith.constant 0 : i32
    %dma_start3A_11 = tpu.memref_slice %arg4[%dma_start3A_9, %dma_start3A_10] : memref<8192x128xf32, #tpu.memory_space<hbm>> -> memref<8192x128xf32, #tpu.memory_space<hbm>>
    tpu.enqueue_indirect_dma source(%dma_start3A_11 : memref<8192x128xf32, #tpu.memory_space<hbm>>) target(%dma_start3A_5 : memref<128x128xf32, #tpu.memory_space<vmem>>) offsets(%dma_start3A_8 : memref<128xi32, #tpu.memory_space<vmem>>) semaphore(%arg13 : memref<!tpu.dma_semaphore, #tpu.memory_space<semaphore_mem>>)
    %dma_start3A_12 = arith.constant 1 : i32
    %dma_start3A_13 = arith.constant 128 : i32
    %dma_start3A_14 = arith.constant 0 : i32
    %dma_start3A_15 = tpu.memref_slice %arg9[%dma_start3A_13, %dma_start3A_14] : memref<256x128xf32, #tpu.memory_space<vmem>> -> memref<128x128xf32, #tpu.memory_space<vmem>>
    %dma_start3A_16 = arith.constant 0 : i32
    %dma_start3A_17 = tpu.memref_slice %arg8[%dma_start3A_12, %dma_start3A_16] : memref<2x128xi32, #tpu.memory_space<vmem>> -> memref<1x128xi32, #tpu.memory_space<vmem>>
    %dma_start3A_18 = tpu.memref_squeeze %dma_start3A_17 : memref<1x128xi32, #tpu.memory_space<vmem>> -> memref<128xi32, #tpu.memory_space<vmem>>
    %dma_start3A_19 = arith.constant 0 : i32
    %dma_start3A_20 = arith.constant 0 : i32
    %dma_start3A_21 = tpu.memref_slice %arg4[%dma_start3A_19, %dma_start3A_20] : memref<8192x128xf32, #tpu.memory_space<hbm>> -> memref<8192x128xf32, #tpu.memory_space<hbm>>
    tpu.enqueue_indirect_dma source(%dma_start3A_21 : memref<8192x128xf32, #tpu.memory_space<hbm>>) target(%dma_start3A_15 : memref<128x128xf32, #tpu.memory_space<vmem>>) offsets(%dma_start3A_18 : memref<128xi32, #tpu.memory_space<vmem>>) semaphore(%arg13 : memref<!tpu.dma_semaphore, #tpu.memory_space<semaphore_mem>>)
    "tpu.region"() ({
      %run_scoped3A = tpu.sem_alloc : memref<!tpu.dma_semaphore, #tpu.memory_space<semaphore_mem>>
      %dma_start3A_50 = arith.constant 0 : i32
      %dma_start3A_51 = tpu.memref_slice %arg2[%mul3A_2, %dma_start3A_50] : memref<8192x32xf32, #tpu.memory_space<hbm>> -> memref<256x32xf32, #tpu.memory_space<hbm>>
      %dma_start3A_52 = arith.constant 0 : i32
      %dma_start3A_53 = tpu.memref_slice %arg2[%mul3A_2, %dma_start3A_52] : memref<8192x32xf32, #tpu.memory_space<hbm>> -> memref<256x32xf32, #tpu.memory_space<hbm>>
      tpu.enqueue_dma source(%dma_start3A_53 : memref<256x32xf32, #tpu.memory_space<hbm>>) target(%arg10 : memref<256x32xf32, #tpu.memory_space<vmem>>) target_semaphore(%run_scoped3A : memref<!tpu.dma_semaphore, #tpu.memory_space<semaphore_mem>>)
      %dma_wait3A_54 = arith.constant 0 : i32
      %dma_wait3A_55 = tpu.memref_slice %arg2[%mul3A_2, %dma_wait3A_54] : memref<8192x32xf32, #tpu.memory_space<hbm>> -> memref<256x32xf32, #tpu.memory_space<hbm>>
      %dma_wait3A_56 = arith.constant 0 : i32
      %dma_wait3A_57 = tpu.memref_slice %arg2[%mul3A_2, %dma_wait3A_56] : memref<8192x32xf32, #tpu.memory_space<hbm>> -> memref<256x32xf32, #tpu.memory_space<hbm>>
      tpu.wait_dma2 semaphore(%run_scoped3A : memref<!tpu.dma_semaphore, #tpu.memory_space<semaphore_mem>>) src(%dma_wait3A_57 : memref<256x32xf32, #tpu.memory_space<hbm>>) dst(%arg10 : memref<256x32xf32, #tpu.memory_space<vmem>>)
      tpu.yield
    }) : () -> ()
    "tpu.region"() ({
      %run_scoped3A = tpu.sem_alloc : memref<!tpu.dma_semaphore, #tpu.memory_space<semaphore_mem>>
      %dma_start3A_50 = arith.constant 0 : i32
      %dma_start3A_51 = tpu.memref_slice %arg3[%mul3A_2, %dma_start3A_50] : memref<8192x32xf32, #tpu.memory_space<hbm>> -> memref<256x32xf32, #tpu.memory_space<hbm>>
      %dma_start3A_52 = arith.constant 0 : i32
      %dma_start3A_53 = tpu.memref_slice %arg3[%mul3A_2, %dma_start3A_52] : memref<8192x32xf32, #tpu.memory_space<hbm>> -> memref<256x32xf32, #tpu.memory_space<hbm>>
      tpu.enqueue_dma source(%dma_start3A_53 : memref<256x32xf32, #tpu.memory_space<hbm>>) target(%arg11 : memref<256x32xf32, #tpu.memory_space<vmem>>) target_semaphore(%run_scoped3A : memref<!tpu.dma_semaphore, #tpu.memory_space<semaphore_mem>>)
      %dma_wait3A_54 = arith.constant 0 : i32
      %dma_wait3A_55 = tpu.memref_slice %arg3[%mul3A_2, %dma_wait3A_54] : memref<8192x32xf32, #tpu.memory_space<hbm>> -> memref<256x32xf32, #tpu.memory_space<hbm>>
      %dma_wait3A_56 = arith.constant 0 : i32
      %dma_wait3A_57 = tpu.memref_slice %arg3[%mul3A_2, %dma_wait3A_56] : memref<8192x32xf32, #tpu.memory_space<hbm>> -> memref<256x32xf32, #tpu.memory_space<hbm>>
      tpu.wait_dma2 semaphore(%run_scoped3A : memref<!tpu.dma_semaphore, #tpu.memory_space<semaphore_mem>>) src(%dma_wait3A_57 : memref<256x32xf32, #tpu.memory_space<hbm>>) dst(%arg11 : memref<256x32xf32, #tpu.memory_space<vmem>>)
      tpu.yield
    }) : () -> ()
    %dma_wait3A = arith.constant 0 : i32
    %dma_wait3A_22 = arith.constant 0 : i32
    %dma_wait3A_23 = arith.constant 0 : i32
    %dma_wait3A_24 = tpu.memref_slice %arg9[%dma_wait3A_22, %dma_wait3A_23] : memref<256x128xf32, #tpu.memory_space<vmem>> -> memref<128x128xf32, #tpu.memory_space<vmem>>
    %dma_wait3A_25 = arith.constant 0 : i32
    %dma_wait3A_26 = tpu.memref_slice %arg8[%dma_wait3A, %dma_wait3A_25] : memref<2x128xi32, #tpu.memory_space<vmem>> -> memref<1x128xi32, #tpu.memory_space<vmem>>
    %dma_wait3A_27 = tpu.memref_squeeze %dma_wait3A_26 : memref<1x128xi32, #tpu.memory_space<vmem>> -> memref<128xi32, #tpu.memory_space<vmem>>
    %dma_wait3A_28 = arith.constant 0 : i32
    %dma_wait3A_29 = arith.constant 0 : i32
    %dma_wait3A_30 = tpu.memref_slice %arg4[%dma_wait3A_28, %dma_wait3A_29] : memref<8192x128xf32, #tpu.memory_space<hbm>> -> memref<8192x128xf32, #tpu.memory_space<hbm>>
    tpu.wait_indirect_dma semaphore(%arg13 : memref<!tpu.dma_semaphore, #tpu.memory_space<semaphore_mem>>) src(%dma_wait3A_30 : memref<8192x128xf32, #tpu.memory_space<hbm>>) dst(%dma_wait3A_24 : memref<128x128xf32, #tpu.memory_space<vmem>>)
    %dma_wait3A_31 = arith.constant 1 : i32
    %dma_wait3A_32 = arith.constant 128 : i32
    %dma_wait3A_33 = arith.constant 0 : i32
    %dma_wait3A_34 = tpu.memref_slice %arg9[%dma_wait3A_32, %dma_wait3A_33] : memref<256x128xf32, #tpu.memory_space<vmem>> -> memref<128x128xf32, #tpu.memory_space<vmem>>
    %dma_wait3A_35 = arith.constant 0 : i32
    %dma_wait3A_36 = tpu.memref_slice %arg8[%dma_wait3A_31, %dma_wait3A_35] : memref<2x128xi32, #tpu.memory_space<vmem>> -> memref<1x128xi32, #tpu.memory_space<vmem>>
    %dma_wait3A_37 = tpu.memref_squeeze %dma_wait3A_36 : memref<1x128xi32, #tpu.memory_space<vmem>> -> memref<128xi32, #tpu.memory_space<vmem>>
    %dma_wait3A_38 = arith.constant 0 : i32
    %dma_wait3A_39 = arith.constant 0 : i32
    %dma_wait3A_40 = tpu.memref_slice %arg4[%dma_wait3A_38, %dma_wait3A_39] : memref<8192x128xf32, #tpu.memory_space<hbm>> -> memref<8192x128xf32, #tpu.memory_space<hbm>>
    tpu.wait_indirect_dma semaphore(%arg13 : memref<!tpu.dma_semaphore, #tpu.memory_space<semaphore_mem>>) src(%dma_wait3A_40 : memref<8192x128xf32, #tpu.memory_space<hbm>>) dst(%dma_wait3A_34 : memref<128x128xf32, #tpu.memory_space<vmem>>)
    %broadcast_in_dim3A = arith.constant 0.000000e+00 : f32
    %broadcast_in_dim3A_41 = vector.broadcast %broadcast_in_dim3A : f32 to vector<16xf32>
    %scan3A = arith.constant 0 : i32
    %scan3A_42 = arith.constant 256 : i32
    %scan3A_43 = arith.addi %scan3A, %scan3A_42 : i32
    %scan3A_44 = arith.constant 1 : i32
    %scan3A_45 = scf.for %scan3A_50 = %scan3A to %scan3A_43 step %scan3A_44 iter_args(%scan3A_51 = %broadcast_in_dim3A_41) -> (vector<16xf32>)  : i32 {
      %get3A = arith.index_cast %scan3A_50 : i32 to index
      %get3A_52 = arith.constant 0 : index
      %get3A_53 = tpu.vector_load %arg9[%get3A, %get3A_52] {strides = array<i32>} : memref<256x128xf32, #tpu.memory_space<vmem>>, vector<1x16xf32>,
      %get3A_54 = vector.shape_cast %get3A_53 : vector<1x16xf32> to vector<16xf32>
      %get3A_55 = arith.index_cast %scan3A_50 : i32 to index
      %get3A_56 = arith.constant 16 : index
      %get3A_57 = tpu.vector_load %arg9[%get3A_55, %get3A_56] {strides = array<i32>} : memref<256x128xf32, #tpu.memory_space<vmem>>, vector<1x16xf32>,
      %get3A_58 = vector.shape_cast %get3A_57 : vector<1x16xf32> to vector<16xf32>
      %get3A_59 = arith.index_cast %scan3A_50 : i32 to index
      %get3A_60 = arith.constant 0 : index
      %get3A_61 = tpu.vector_load %arg10[%get3A_59, %get3A_60] {strides = array<i32>} : memref<256x32xf32, #tpu.memory_space<vmem>>, vector<1x16xf32>,
      %get3A_62 = vector.shape_cast %get3A_61 : vector<1x16xf32> to vector<16xf32>
      %get3A_63 = arith.index_cast %scan3A_50 : i32 to index
      %get3A_64 = arith.constant 16 : index
      %get3A_65 = tpu.vector_load %arg10[%get3A_63, %get3A_64] {strides = array<i32>} : memref<256x32xf32, #tpu.memory_space<vmem>>, vector<1x16xf32>,
      %get3A_66 = vector.shape_cast %get3A_65 : vector<1x16xf32> to vector<16xf32>
      %get3A_67 = arith.index_cast %scan3A_50 : i32 to index
      %get3A_68 = arith.constant 0 : index
      %get3A_69 = tpu.vector_load %arg11[%get3A_67, %get3A_68] {strides = array<i32>} : memref<256x32xf32, #tpu.memory_space<vmem>>, vector<1x16xf32>,
      %get3A_70 = vector.shape_cast %get3A_69 : vector<1x16xf32> to vector<16xf32>
      %get3A_71 = arith.index_cast %scan3A_50 : i32 to index
      %get3A_72 = arith.constant 16 : index
      %get3A_73 = tpu.vector_load %arg11[%get3A_71, %get3A_72] {strides = array<i32>} : memref<256x32xf32, #tpu.memory_space<vmem>>, vector<1x16xf32>,
      %get3A_74 = vector.shape_cast %get3A_73 : vector<1x16xf32> to vector<16xf32>
      %sub3A = arith.subf %get3A_62, %get3A_70 : vector<16xf32>
      %sub3A_75 = arith.subf %sub3A, %get3A_54 : vector<16xf32>
      %sub3A_76 = arith.subf %get3A_66, %get3A_74 : vector<16xf32>
      %sub3A_77 = arith.subf %sub3A_76, %get3A_58 : vector<16xf32>
      %add3A_78 = arith.addf %get3A_70, %get3A_54 : vector<16xf32>
      %swap3A_79 = arith.index_cast %scan3A_50 : i32 to index
      %swap3A_80 = arith.constant 0 : index
      %swap3A_81 = tpu.vector_load %arg11[%swap3A_79, %swap3A_80] {strides = array<i32>} : memref<256x32xf32, #tpu.memory_space<vmem>>, vector<1x16xf32>,
      %swap3A_82 = vector.shape_cast %swap3A_81 : vector<1x16xf32> to vector<16xf32>
      %swap3A_83 = vector.shape_cast %add3A_78 : vector<16xf32> to vector<1x16xf32>
      tpu.vector_store %arg11[%swap3A_79, %swap3A_80], %swap3A_83 {strides = array<i32>} : memref<256x32xf32, #tpu.memory_space<vmem>>, vector<1x16xf32>,
      %add3A_84 = arith.addf %get3A_74, %get3A_58 : vector<16xf32>
      %swap3A_85 = arith.index_cast %scan3A_50 : i32 to index
      %swap3A_86 = arith.constant 16 : index
      %swap3A_87 = tpu.vector_load %arg11[%swap3A_85, %swap3A_86] {strides = array<i32>} : memref<256x32xf32, #tpu.memory_space<vmem>>, vector<1x16xf32>,
      %swap3A_88 = vector.shape_cast %swap3A_87 : vector<1x16xf32> to vector<16xf32>
      %swap3A_89 = vector.shape_cast %add3A_84 : vector<16xf32> to vector<1x16xf32>
      tpu.vector_store %arg11[%swap3A_85, %swap3A_86], %swap3A_89 {strides = array<i32>} : memref<256x32xf32, #tpu.memory_space<vmem>>, vector<1x16xf32>,
      %mul3A_90 = arith.mulf %sub3A_75, %sub3A_75 : vector<16xf32>
      %add3A_91 = arith.addf %scan3A_51, %mul3A_90 : vector<16xf32>
      %mul3A_92 = arith.mulf %sub3A_77, %sub3A_77 : vector<16xf32>
      %add3A_93 = arith.addf %add3A_91, %mul3A_92 : vector<16xf32>
      scf.yield %add3A_93 : vector<16xf32>
    }
    %scan3A_46 = arith.constant 256 : i32
    %swap3A = arith.constant 0 : index
    %swap3A_47 = tpu.vector_load %arg12[%swap3A] {strides = array<i32>} : memref<16xf32, #tpu.memory_space<vmem>>, vector<16xf32>,
    %swap3A_48 = vector.shape_cast %swap3A_47 : vector<16xf32> to vector<16xf32>
    %swap3A_49 = vector.shape_cast %scan3A_45 : vector<16xf32> to vector<16xf32>
    tpu.vector_store %arg12[%swap3A], %swap3A_49 {strides = array<i32>} : memref<16xf32, #tpu.memory_space<vmem>>, vector<16xf32>,
    "tpu.region"() ({
      %run_scoped3A = tpu.sem_alloc : memref<!tpu.dma_semaphore, #tpu.memory_space<semaphore_mem>>
      %dma_start3A_50 = arith.constant 0 : i32
      %dma_start3A_51 = tpu.memref_slice %arg6[%mul3A_2, %dma_start3A_50] : memref<8192x32xf32, #tpu.memory_space<hbm>> -> memref<256x32xf32, #tpu.memory_space<hbm>>
      %dma_start3A_52 = arith.constant 0 : i32
      %dma_start3A_53 = tpu.memref_slice %arg6[%mul3A_2, %dma_start3A_52] : memref<8192x32xf32, #tpu.memory_space<hbm>> -> memref<256x32xf32, #tpu.memory_space<hbm>>
      tpu.enqueue_dma source(%arg11 : memref<256x32xf32, #tpu.memory_space<vmem>>) target(%dma_start3A_53 : memref<256x32xf32, #tpu.memory_space<hbm>>) target_semaphore(%run_scoped3A : memref<!tpu.dma_semaphore, #tpu.memory_space<semaphore_mem>>)
      %dma_wait3A_54 = arith.constant 0 : i32
      %dma_wait3A_55 = tpu.memref_slice %arg6[%mul3A_2, %dma_wait3A_54] : memref<8192x32xf32, #tpu.memory_space<hbm>> -> memref<256x32xf32, #tpu.memory_space<hbm>>
      %dma_wait3A_56 = arith.constant 0 : i32
      %dma_wait3A_57 = tpu.memref_slice %arg6[%mul3A_2, %dma_wait3A_56] : memref<8192x32xf32, #tpu.memory_space<hbm>> -> memref<256x32xf32, #tpu.memory_space<hbm>>
      tpu.wait_dma2 semaphore(%run_scoped3A : memref<!tpu.dma_semaphore, #tpu.memory_space<semaphore_mem>>) src(%arg11 : memref<256x32xf32, #tpu.memory_space<vmem>>) dst(%dma_wait3A_57 : memref<256x32xf32, #tpu.memory_space<hbm>>)
      tpu.yield
    }) : () -> ()
    "tpu.region"() ({
      %run_scoped3A = tpu.sem_alloc : memref<!tpu.dma_semaphore, #tpu.memory_space<semaphore_mem>>
      %dma_start3A_50 = arith.constant 0 : i32
      %dma_start3A_51 = tpu.memref_slice %arg7[%add3A, %dma_start3A_50] : memref<32x16xf32, #tpu.memory_space<hbm>> -> memref<1x16xf32, #tpu.memory_space<hbm>>
      %dma_start3A_52 = tpu.memref_squeeze %dma_start3A_51 : memref<1x16xf32, #tpu.memory_space<hbm>> -> memref<16xf32, #tpu.memory_space<hbm>>
      %dma_start3A_53 = arith.constant 0 : i32
      %dma_start3A_54 = tpu.memref_slice %arg7[%add3A, %dma_start3A_53] : memref<32x16xf32, #tpu.memory_space<hbm>> -> memref<1x16xf32, #tpu.memory_space<hbm>>
      %dma_start3A_55 = tpu.memref_squeeze %dma_start3A_54 : memref<1x16xf32, #tpu.memory_space<hbm>> -> memref<16xf32, #tpu.memory_space<hbm>>
      tpu.enqueue_dma source(%arg12 : memref<16xf32, #tpu.memory_space<vmem>>) target(%dma_start3A_55 : memref<16xf32, #tpu.memory_space<hbm>>) target_semaphore(%run_scoped3A : memref<!tpu.dma_semaphore, #tpu.memory_space<semaphore_mem>>)
      %dma_wait3A_56 = arith.constant 0 : i32
      %dma_wait3A_57 = tpu.memref_slice %arg7[%add3A, %dma_wait3A_56] : memref<32x16xf32, #tpu.memory_space<hbm>> -> memref<1x16xf32, #tpu.memory_space<hbm>>
      %dma_wait3A_58 = tpu.memref_squeeze %dma_wait3A_57 : memref<1x16xf32, #tpu.memory_space<hbm>> -> memref<16xf32, #tpu.memory_space<hbm>>
      %dma_wait3A_59 = arith.constant 0 : i32
      %dma_wait3A_60 = tpu.memref_slice %arg7[%add3A, %dma_wait3A_59] : memref<32x16xf32, #tpu.memory_space<hbm>> -> memref<1x16xf32, #tpu.memory_space<hbm>>
      %dma_wait3A_61 = tpu.memref_squeeze %dma_wait3A_60 : memref<1x16xf32, #tpu.memory_space<hbm>> -> memref<16xf32, #tpu.memory_space<hbm>>
      tpu.wait_dma2 semaphore(%run_scoped3A : memref<!tpu.dma_semaphore, #tpu.memory_space<semaphore_mem>>) src(%arg12 : memref<16xf32, #tpu.memory_space<vmem>>) dst(%dma_wait3A_61 : memref<16xf32, #tpu.memory_space<hbm>>)
      tpu.yield
    }) : () -> ()
    return
  }
}

module attributes {stable_mosaic.version = 14 : i64} {
  func.func @_argmin_body(%arg0: i32, %arg1: memref<512x32xf32, #tpu.memory_space<vmem>>, %arg2: memref<512x32xf32, #tpu.memory_space<vmem>>, %arg3: memref<32x8192xf32, #tpu.memory_space<vmem>>, %arg4: memref<512x1xi32, #tpu.memory_space<vmem>>) attributes {dimension_semantics = [#tpu.dimension_semantics<arbitrary>], iteration_bounds = array<i64: 16>, scalar_prefetch = 0 : i64, scratch_operands = 0 : i64, tpu.core_type = #tpu.core_type<tc>, window_params = [{transform_indices = @transform_0, window_bounds = array<i64: 512, 32>}, {transform_indices = @transform_1, window_bounds = array<i64: 512, 32>}, {pipeline_mode = #tpu.pipeline_mode<synchronous>, transform_indices = @transform_2, window_bounds = array<i64: 32, 8192>}, {transform_indices = @transform_3, window_bounds = array<i64: 512, 1>}]} {
    %get3A = arith.constant 0 : index
    %get3A_0 = arith.constant 0 : index
    %get3A_1 = vector.load %arg1[%get3A, %get3A_0] : memref<512x32xf32, #tpu.memory_space<vmem>>, vector<512x32xf32>
    %get3A_2 = arith.constant 0 : index
    %get3A_3 = arith.constant 0 : index
    %get3A_4 = vector.load %arg2[%get3A_2, %get3A_3] : memref<512x32xf32, #tpu.memory_space<vmem>>, vector<512x32xf32>
    %sub3A = arith.subf %get3A_1, %get3A_4 : vector<512x32xf32>
    %mul3A = arith.mulf %sub3A, %sub3A : vector<512x32xf32>
    %reduce_sum3A = arith.constant dense<0.000000e+00> : vector<512xf32>
    %reduce_sum3A_5 = vector.multi_reduction <add>, %mul3A, %reduce_sum3A [1] : vector<512x32xf32> to vector<512xf32>
    %broadcast_in_dim3A = vector.shape_cast %reduce_sum3A_5 : vector<512xf32> to vector<512x1xf32>
    %convert_element_type3A = arith.truncf %sub3A : vector<512x32xf32> to vector<512x32xbf16>
    %iota3A = tpu.iota {dimensions = array<i32: 1>} : vector<512x2048xi32>
    %convert_element_type3A_6 = arith.sitofp %iota3A : vector<512x2048xi32> to vector<512x2048xf32>
    %broadcast_in_dim3A_7 = arith.constant 0x7F800000 : f32
    %broadcast_in_dim3A_8 = vector.broadcast %broadcast_in_dim3A_7 : f32 to vector<512x1xf32>
    %broadcast_in_dim3A_9 = arith.constant 0 : i32
    %broadcast_in_dim3A_10 = vector.broadcast %broadcast_in_dim3A_9 : i32 to vector<512x1xi32>
    %get3A_11 = arith.constant 0 : index
    %get3A_12 = arith.constant 0 : index
    %get3A_13 = vector.load %arg3[%get3A_11, %get3A_12] : memref<32x8192xf32, #tpu.memory_space<vmem>>, vector<32x2048xf32>
    %mul3A_14 = arith.mulf %get3A_13, %get3A_13 : vector<32x2048xf32>
    %reduce_sum3A_15 = arith.constant dense<0.000000e+00> : vector<2048xf32>
    %reduce_sum3A_16 = vector.multi_reduction <add>, %mul3A_14, %reduce_sum3A_15 [0] : vector<32x2048xf32> to vector<2048xf32>
    %broadcast_in_dim3A_17 = vector.shape_cast %reduce_sum3A_16 : vector<2048xf32> to vector<1x2048xf32>
    %mul3A_18 = arith.constant 2.500000e-01 : f32
    %mul3A_19 = vector.broadcast %mul3A_18 : f32 to vector<1x2048xf32>
    %mul3A_20 = arith.mulf %broadcast_in_dim3A_17, %mul3A_19 : vector<1x2048xf32>
    %convert_element_type3A_21 = arith.truncf %get3A_13 : vector<32x2048xf32> to vector<32x2048xbf16>
    %dot_general3A = arith.constant dense<0.000000e+00> : vector<512x2048xf32>
    %dot_general3A_22 = tpu.matmul %convert_element_type3A, %convert_element_type3A_21, %dot_general3A {dimension_numbers = #tpu.dot_dimension_numbers<[1], [0], [0], [1], [0, 0, 1, 1], [], []>, transpose_lhs_hint = false} : vector<512x32xbf16>, vector<32x2048xbf16>, vector<512x2048xf32> -> vector<512x2048xf32>
    %add3A = vector.broadcast %broadcast_in_dim3A : vector<512x1xf32> to vector<512x2048xf32>
    %add3A_23 = arith.addf %add3A, %dot_general3A_22 : vector<512x2048xf32>
    %add3A_24 = vector.broadcast %mul3A_20 : vector<1x2048xf32> to vector<512x2048xf32>
    %add3A_25 = arith.addf %add3A_23, %add3A_24 : vector<512x2048xf32>
    %reduce_min3A = arith.constant dense<0x7F800000> : vector<512xf32>
    %reduce_min3A_26 = vector.multi_reduction <minimumf>, %add3A_25, %reduce_min3A [1] : vector<512x2048xf32> to vector<512xf32>
    %broadcast_in_dim3A_27 = vector.shape_cast %reduce_min3A_26 : vector<512xf32> to vector<512x1xf32>
    %eq3A = vector.broadcast %broadcast_in_dim3A_27 : vector<512x1xf32> to vector<512x2048xf32>
    %eq3A_28 = arith.cmpf oeq, %add3A_25, %eq3A : vector<512x2048xf32>
    %jit3A = arith.constant 8.192000e+03 : f32
    %broadcast_in_dim3A_29 = vector.broadcast %jit3A : f32 to vector<512x2048xf32>
    %select_n3A = arith.select %eq3A_28, %convert_element_type3A_6, %broadcast_in_dim3A_29 : vector<512x2048xi1>, vector<512x2048xf32>
    %reduce_min3A_30 = arith.constant dense<0x7F800000> : vector<512xf32>
    %reduce_min3A_31 = vector.multi_reduction <minimumf>, %select_n3A, %reduce_min3A_30 [1] : vector<512x2048xf32> to vector<512xf32>
    %broadcast_in_dim3A_32 = vector.shape_cast %reduce_min3A_31 : vector<512xf32> to vector<512x1xf32>
    %convert_element_type3A_33 = arith.fptosi %broadcast_in_dim3A_32 : vector<512x1xf32> to vector<512x1xi32>
    %add3A_34 = arith.constant 0 : i32
    %add3A_35 = vector.broadcast %add3A_34 : i32 to vector<512x1xi32>
    %add3A_36 = arith.addi %convert_element_type3A_33, %add3A_35 : vector<512x1xi32>
    %lt3A = arith.cmpf olt, %broadcast_in_dim3A_27, %broadcast_in_dim3A_8 : vector<512x1xf32>
    %convert_element_type3A_37 = arith.truncf %broadcast_in_dim3A_27 : vector<512x1xf32> to vector<512x1xbf16>
    %convert_element_type3A_38 = arith.extf %convert_element_type3A_37 : vector<512x1xbf16> to vector<512x1xf32>
    %select_n3A_39 = arith.select %lt3A, %convert_element_type3A_38, %broadcast_in_dim3A_8 : vector<512x1xi1>, vector<512x1xf32>
    %select_n3A_40 = arith.select %lt3A, %add3A_36, %broadcast_in_dim3A_10 : vector<512x1xi1>, vector<512x1xi32>
    %get3A_41 = arith.constant 0 : index
    %get3A_42 = arith.constant 2048 : index
    %get3A_43 = vector.load %arg3[%get3A_41, %get3A_42] : memref<32x8192xf32, #tpu.memory_space<vmem>>, vector<32x2048xf32>
    %mul3A_44 = arith.mulf %get3A_43, %get3A_43 : vector<32x2048xf32>
    %reduce_sum3A_45 = arith.constant dense<0.000000e+00> : vector<2048xf32>
    %reduce_sum3A_46 = vector.multi_reduction <add>, %mul3A_44, %reduce_sum3A_45 [0] : vector<32x2048xf32> to vector<2048xf32>
    %broadcast_in_dim3A_47 = vector.shape_cast %reduce_sum3A_46 : vector<2048xf32> to vector<1x2048xf32>
    %mul3A_48 = arith.constant 2.500000e-01 : f32
    %mul3A_49 = vector.broadcast %mul3A_48 : f32 to vector<1x2048xf32>
    %mul3A_50 = arith.mulf %broadcast_in_dim3A_47, %mul3A_49 : vector<1x2048xf32>
    %convert_element_type3A_51 = arith.truncf %get3A_43 : vector<32x2048xf32> to vector<32x2048xbf16>
    %dot_general3A_52 = arith.constant dense<0.000000e+00> : vector<512x2048xf32>
    %dot_general3A_53 = tpu.matmul %convert_element_type3A, %convert_element_type3A_51, %dot_general3A_52 {dimension_numbers = #tpu.dot_dimension_numbers<[1], [0], [0], [1], [0, 0, 1, 1], [], []>, transpose_lhs_hint = false} : vector<512x32xbf16>, vector<32x2048xbf16>, vector<512x2048xf32> -> vector<512x2048xf32>
    %add3A_54 = vector.broadcast %broadcast_in_dim3A : vector<512x1xf32> to vector<512x2048xf32>
    %add3A_55 = arith.addf %add3A_54, %dot_general3A_53 : vector<512x2048xf32>
    %add3A_56 = vector.broadcast %mul3A_50 : vector<1x2048xf32> to vector<512x2048xf32>
    %add3A_57 = arith.addf %add3A_55, %add3A_56 : vector<512x2048xf32>
    %reduce_min3A_58 = arith.constant dense<0x7F800000> : vector<512xf32>
    %reduce_min3A_59 = vector.multi_reduction <minimumf>, %add3A_57, %reduce_min3A_58 [1] : vector<512x2048xf32> to vector<512xf32>
    %broadcast_in_dim3A_60 = vector.shape_cast %reduce_min3A_59 : vector<512xf32> to vector<512x1xf32>
    %eq3A_61 = vector.broadcast %broadcast_in_dim3A_60 : vector<512x1xf32> to vector<512x2048xf32>
    %eq3A_62 = arith.cmpf oeq, %add3A_57, %eq3A_61 : vector<512x2048xf32>
    %jit3A_63 = arith.constant 8.192000e+03 : f32
    %broadcast_in_dim3A_64 = vector.broadcast %jit3A_63 : f32 to vector<512x2048xf32>
    %select_n3A_65 = arith.select %eq3A_62, %convert_element_type3A_6, %broadcast_in_dim3A_64 : vector<512x2048xi1>, vector<512x2048xf32>
    %reduce_min3A_66 = arith.constant dense<0x7F800000> : vector<512xf32>
    %reduce_min3A_67 = vector.multi_reduction <minimumf>, %select_n3A_65, %reduce_min3A_66 [1] : vector<512x2048xf32> to vector<512xf32>
    %broadcast_in_dim3A_68 = vector.shape_cast %reduce_min3A_67 : vector<512xf32> to vector<512x1xf32>
    %convert_element_type3A_69 = arith.fptosi %broadcast_in_dim3A_68 : vector<512x1xf32> to vector<512x1xi32>
    %add3A_70 = arith.constant 2048 : i32
    %add3A_71 = vector.broadcast %add3A_70 : i32 to vector<512x1xi32>
    %add3A_72 = arith.addi %convert_element_type3A_69, %add3A_71 : vector<512x1xi32>
    %lt3A_73 = arith.cmpf olt, %broadcast_in_dim3A_60, %select_n3A_39 : vector<512x1xf32>
    %convert_element_type3A_74 = arith.truncf %broadcast_in_dim3A_60 : vector<512x1xf32> to vector<512x1xbf16>
    %convert_element_type3A_75 = arith.extf %convert_element_type3A_74 : vector<512x1xbf16> to vector<512x1xf32>
    %select_n3A_76 = arith.select %lt3A_73, %convert_element_type3A_75, %select_n3A_39 : vector<512x1xi1>, vector<512x1xf32>
    %select_n3A_77 = arith.select %lt3A_73, %add3A_72, %select_n3A_40 : vector<512x1xi1>, vector<512x1xi32>
    %get3A_78 = arith.constant 0 : index
    %get3A_79 = arith.constant 4096 : index
    %get3A_80 = vector.load %arg3[%get3A_78, %get3A_79] : memref<32x8192xf32, #tpu.memory_space<vmem>>, vector<32x2048xf32>
    %mul3A_81 = arith.mulf %get3A_80, %get3A_80 : vector<32x2048xf32>
    %reduce_sum3A_82 = arith.constant dense<0.000000e+00> : vector<2048xf32>
    %reduce_sum3A_83 = vector.multi_reduction <add>, %mul3A_81, %reduce_sum3A_82 [0] : vector<32x2048xf32> to vector<2048xf32>
    %broadcast_in_dim3A_84 = vector.shape_cast %reduce_sum3A_83 : vector<2048xf32> to vector<1x2048xf32>
    %mul3A_85 = arith.constant 2.500000e-01 : f32
    %mul3A_86 = vector.broadcast %mul3A_85 : f32 to vector<1x2048xf32>
    %mul3A_87 = arith.mulf %broadcast_in_dim3A_84, %mul3A_86 : vector<1x2048xf32>
    %convert_element_type3A_88 = arith.truncf %get3A_80 : vector<32x2048xf32> to vector<32x2048xbf16>
    %dot_general3A_89 = arith.constant dense<0.000000e+00> : vector<512x2048xf32>
    %dot_general3A_90 = tpu.matmul %convert_element_type3A, %convert_element_type3A_88, %dot_general3A_89 {dimension_numbers = #tpu.dot_dimension_numbers<[1], [0], [0], [1], [0, 0, 1, 1], [], []>, transpose_lhs_hint = false} : vector<512x32xbf16>, vector<32x2048xbf16>, vector<512x2048xf32> -> vector<512x2048xf32>
    %add3A_91 = vector.broadcast %broadcast_in_dim3A : vector<512x1xf32> to vector<512x2048xf32>
    %add3A_92 = arith.addf %add3A_91, %dot_general3A_90 : vector<512x2048xf32>
    %add3A_93 = vector.broadcast %mul3A_87 : vector<1x2048xf32> to vector<512x2048xf32>
    %add3A_94 = arith.addf %add3A_92, %add3A_93 : vector<512x2048xf32>
    %reduce_min3A_95 = arith.constant dense<0x7F800000> : vector<512xf32>
    %reduce_min3A_96 = vector.multi_reduction <minimumf>, %add3A_94, %reduce_min3A_95 [1] : vector<512x2048xf32> to vector<512xf32>
    %broadcast_in_dim3A_97 = vector.shape_cast %reduce_min3A_96 : vector<512xf32> to vector<512x1xf32>
    %eq3A_98 = vector.broadcast %broadcast_in_dim3A_97 : vector<512x1xf32> to vector<512x2048xf32>
    %eq3A_99 = arith.cmpf oeq, %add3A_94, %eq3A_98 : vector<512x2048xf32>
    %jit3A_100 = arith.constant 8.192000e+03 : f32
    %broadcast_in_dim3A_101 = vector.broadcast %jit3A_100 : f32 to vector<512x2048xf32>
    %select_n3A_102 = arith.select %eq3A_99, %convert_element_type3A_6, %broadcast_in_dim3A_101 : vector<512x2048xi1>, vector<512x2048xf32>
    %reduce_min3A_103 = arith.constant dense<0x7F800000> : vector<512xf32>
    %reduce_min3A_104 = vector.multi_reduction <minimumf>, %select_n3A_102, %reduce_min3A_103 [1] : vector<512x2048xf32> to vector<512xf32>
    %broadcast_in_dim3A_105 = vector.shape_cast %reduce_min3A_104 : vector<512xf32> to vector<512x1xf32>
    %convert_element_type3A_106 = arith.fptosi %broadcast_in_dim3A_105 : vector<512x1xf32> to vector<512x1xi32>
    %add3A_107 = arith.constant 4096 : i32
    %add3A_108 = vector.broadcast %add3A_107 : i32 to vector<512x1xi32>
    %add3A_109 = arith.addi %convert_element_type3A_106, %add3A_108 : vector<512x1xi32>
    %lt3A_110 = arith.cmpf olt, %broadcast_in_dim3A_97, %select_n3A_76 : vector<512x1xf32>
    %convert_element_type3A_111 = arith.truncf %broadcast_in_dim3A_97 : vector<512x1xf32> to vector<512x1xbf16>
    %convert_element_type3A_112 = arith.extf %convert_element_type3A_111 : vector<512x1xbf16> to vector<512x1xf32>
    %select_n3A_113 = arith.select %lt3A_110, %convert_element_type3A_112, %select_n3A_76 : vector<512x1xi1>, vector<512x1xf32>
    %select_n3A_114 = arith.select %lt3A_110, %add3A_109, %select_n3A_77 : vector<512x1xi1>, vector<512x1xi32>
    %get3A_115 = arith.constant 0 : index
    %get3A_116 = arith.constant 6144 : index
    %get3A_117 = vector.load %arg3[%get3A_115, %get3A_116] : memref<32x8192xf32, #tpu.memory_space<vmem>>, vector<32x2048xf32>
    %mul3A_118 = arith.mulf %get3A_117, %get3A_117 : vector<32x2048xf32>
    %reduce_sum3A_119 = arith.constant dense<0.000000e+00> : vector<2048xf32>
    %reduce_sum3A_120 = vector.multi_reduction <add>, %mul3A_118, %reduce_sum3A_119 [0] : vector<32x2048xf32> to vector<2048xf32>
    %broadcast_in_dim3A_121 = vector.shape_cast %reduce_sum3A_120 : vector<2048xf32> to vector<1x2048xf32>
    %mul3A_122 = arith.constant 2.500000e-01 : f32
    %mul3A_123 = vector.broadcast %mul3A_122 : f32 to vector<1x2048xf32>
    %mul3A_124 = arith.mulf %broadcast_in_dim3A_121, %mul3A_123 : vector<1x2048xf32>
    %convert_element_type3A_125 = arith.truncf %get3A_117 : vector<32x2048xf32> to vector<32x2048xbf16>
    %dot_general3A_126 = arith.constant dense<0.000000e+00> : vector<512x2048xf32>
    %dot_general3A_127 = tpu.matmul %convert_element_type3A, %convert_element_type3A_125, %dot_general3A_126 {dimension_numbers = #tpu.dot_dimension_numbers<[1], [0], [0], [1], [0, 0, 1, 1], [], []>, transpose_lhs_hint = false} : vector<512x32xbf16>, vector<32x2048xbf16>, vector<512x2048xf32> -> vector<512x2048xf32>
    %add3A_128 = vector.broadcast %broadcast_in_dim3A : vector<512x1xf32> to vector<512x2048xf32>
    %add3A_129 = arith.addf %add3A_128, %dot_general3A_127 : vector<512x2048xf32>
    %add3A_130 = vector.broadcast %mul3A_124 : vector<1x2048xf32> to vector<512x2048xf32>
    %add3A_131 = arith.addf %add3A_129, %add3A_130 : vector<512x2048xf32>
    %reduce_min3A_132 = arith.constant dense<0x7F800000> : vector<512xf32>
    %reduce_min3A_133 = vector.multi_reduction <minimumf>, %add3A_131, %reduce_min3A_132 [1] : vector<512x2048xf32> to vector<512xf32>
    %broadcast_in_dim3A_134 = vector.shape_cast %reduce_min3A_133 : vector<512xf32> to vector<512x1xf32>
    %eq3A_135 = vector.broadcast %broadcast_in_dim3A_134 : vector<512x1xf32> to vector<512x2048xf32>
    %eq3A_136 = arith.cmpf oeq, %add3A_131, %eq3A_135 : vector<512x2048xf32>
    %jit3A_137 = arith.constant 8.192000e+03 : f32
    %broadcast_in_dim3A_138 = vector.broadcast %jit3A_137 : f32 to vector<512x2048xf32>
    %select_n3A_139 = arith.select %eq3A_136, %convert_element_type3A_6, %broadcast_in_dim3A_138 : vector<512x2048xi1>, vector<512x2048xf32>
    %reduce_min3A_140 = arith.constant dense<0x7F800000> : vector<512xf32>
    %reduce_min3A_141 = vector.multi_reduction <minimumf>, %select_n3A_139, %reduce_min3A_140 [1] : vector<512x2048xf32> to vector<512xf32>
    %broadcast_in_dim3A_142 = vector.shape_cast %reduce_min3A_141 : vector<512xf32> to vector<512x1xf32>
    %convert_element_type3A_143 = arith.fptosi %broadcast_in_dim3A_142 : vector<512x1xf32> to vector<512x1xi32>
    %add3A_144 = arith.constant 6144 : i32
    %add3A_145 = vector.broadcast %add3A_144 : i32 to vector<512x1xi32>
    %add3A_146 = arith.addi %convert_element_type3A_143, %add3A_145 : vector<512x1xi32>
    %lt3A_147 = arith.cmpf olt, %broadcast_in_dim3A_134, %select_n3A_113 : vector<512x1xf32>
    %select_n3A_148 = arith.select %lt3A_147, %add3A_146, %select_n3A_114 : vector<512x1xi1>, vector<512x1xi32>
    %swap3A = arith.constant 0 : index
    %swap3A_149 = arith.constant 0 : index
    %swap3A_150 = vector.load %arg4[%swap3A, %swap3A_149] : memref<512x1xi32, #tpu.memory_space<vmem>>, vector<512x1xi32>
    tpu.vector_store %arg4[%swap3A, %swap3A_149], %select_n3A_148 {strides = array<i32>} : memref<512x1xi32, #tpu.memory_space<vmem>>, vector<512x1xi32>,
    return
  }
  func.func @transform_0(%arg0: i32) -> (i32, i32) {
    %c0_i32 = arith.constant 0 : i32
    %c0_i32_0 = arith.constant 0 : i32
    return %arg0, %c0_i32 : i32, i32
  }
  func.func @transform_1(%arg0: i32) -> (i32, i32) {
    %c0_i32 = arith.constant 0 : i32
    %c0_i32_0 = arith.constant 0 : i32
    return %arg0, %c0_i32 : i32, i32
  }
  func.func @transform_2(%arg0: i32) -> (i32, i32) {
    %c0_i32 = arith.constant 0 : i32
    %c0_i32_0 = arith.constant 0 : i32
    %c0_i32_1 = arith.constant 0 : i32
    return %c0_i32, %c0_i32_0 : i32, i32
  }
  func.func @transform_3(%arg0: i32) -> (i32, i32) {
    %c0_i32 = arith.constant 0 : i32
    %c0_i32_0 = arith.constant 0 : i32
    return %arg0, %c0_i32 : i32, i32
  }
}

</mosaic_0001>

<sc_bundles>
// kernel: kernel.4.cloned.1.call-start
scs
__scs_entry_jumppad:
0x0: {  	(pc) =	sbr.rel $0x88, $3  }
0x1: {  	(tag) =	ssettag $0x0;
	lr =	simm.s32 $0x1  }
0x2: {  	[smem:$0x3F9E] =	sst lr;
	_ =	strace $0xD0000000  }
0x3: {  	_ = 	snop  }
0x4: {  	_ = 	snop  }
0x5: {  	_ = 	snop  }
0x6: {  	_ = 	snop  }
0x7: {  	_ = 	snop  }
__scs_overlays_trampoline_lowered:
0x8: {  	[smem:$0x3FAD] =	sst s0  }
0x9: {  	[smem:$0x3FAE] =	sst s1  }
0xa: {  	[smem:$0x3FAF] =	sst s2  }
0xb: {  	[smem:$0x3FB0] =	sst s3  }
0xc: {  	[smem:$0x3FB1] =	sst s4  }
0xd: {  	[smem:$0x3FB2] =	sst s5  }
0xe: {  	[smem:$0x3FB3] =	sst s6  }
0xf: {  	[smem:$0x3FB4] =	sst s7  }
0x10: {  	[smem:$0x3FB5] =	sst s8  }
0x11: {  	[smem:$0x3FB6] =	sst s9;
	s0 =	simm.s32 @!p0 $0x0  }
0x12: {  	s1 =	sld [smem:$0x3F9C];
	s0 =	simm.s32 @p0 $0x1  }
0x13: {  	[smem:$0x3FB7] =	sst s0;
	s0 =	simm.s32 @!p1 $0x0  }
0x14: {  	s2 =	sld [smem:$0x3F9B];
	s0 =	simm.s32 @p1 $0x1  }
0x15: {  	[smem:$0x3FB8] =	sst s0;
	s0 =	simm.s32 @!p2 $0x0  }
0x16: {  	s3 =	sld [smem:$0x3FDB];
	s0 =	simm.s32 @p2 $0x1  }
0x17: {  	s4 =	simm.s32 $0x1BF5;
	[smem:$0x3FBA] =	sst s0  }
0x18: {  	s0 =	sld [smem:$0x3F9D];
	_ =	swait.ge [sflag:s4], $0x0  }
0x19: {  	s7 =	sld [smem:$0x3F9E]  }
0x1a: {  	s8 =	sadd.s32 $0xFFFFE003, lr  }
0x1b: {  	s9 =	sadd.s32 $0xFFFFFEF7, lr;
	s5 =	simm.s32 $0xFFFFFFFF;
	p2 =	slt.u32 s8, $0xFFFFF086  }
0x1c: {  	p1 =	slt.u32 s9, $0xF7A;
	s5 =	simm.s32 @!p2 $0x0  }
0x1d: {  	s5 =	simm.s32 @p1 $0x1;
	p0 =	seq.s32 s7, s2  }
0x1e: {  	s7 =	smul.u32 @!p0 $0xF7A, s2;
	p2 =	seq.s32 @!p0 s5, $0x0  }
0x1f: {  	s9 =	smul.u32 $0xF7A, s1;
	s8 =	simm.s32 @!p0 $0x1BF5;
	p2 =	por !p2, p0  }
0x20: {  	[sflag:s8] =	ssyncset.s32 @!p0 $0xFFFFF086;
	s6 =	sadd.s32 @!p0 s3, s7;
	s7 =	simm.s32 @!p0 $0x108  }
0x21: {  	s3 =	sadd.s32 s3, s9;
	s6 =	sadd.s32 @!p0 $0x88, s6;
	s7 =	simm.s32 @p2 $0x1082  }
0x22: {  	[simem:s7], [sflag:s8] =	dma.local @!p0 [hbm:s6], $0xF7A  }
0x23: {  	s9 =	sor.u32 $0xD0000000, s2;
	s6 =	simm.s32 $0x108;
	_ =	swait.ge @!p0 [sflag:s8], $0x0  }
0x24: {  	s3 =	sadd.s32 $0x88, s3;
	s6 =	simm.s32 @!p1 $0x1082;
	[sflag:s4] =	ssyncset.s32 $0xFFFFF086  }
0x25: {  	[simem:s6], [sflag:s4] =	dma.local [hbm:s3], $0xF7A  }
0x26: {  	[smem:$0x3F9E] =	sst s1;
	(tag) =	ssettag s2;
	_ =	strace s9  }
0x27: {  	s1 =	sld [smem:$0x3FAE]  }
0x28: {  	s2 =	sld [smem:$0x3FAF]  }
0x29: {  	s4 =	sld [smem:$0x3FB1]  }
0x2a: {  	p0 =	seq.s32 s5, $0x0;
	s5 =	sld [smem:$0x3FB2]  }
0x2b: {  	s6 =	sld [smem:$0x3FB3]  }
0x2c: {  	s7 =	sld [smem:$0x3FB4]  }
0x2d: {  	s3 =	simm.s32 $0x108;
	s8 =	sld [smem:$0x3FB5]  }
0x2e: {  	s3 =	simm.s32 @!p0 $0x1082;
	s9 =	sld [smem:$0x3FB6]  }
0x2f: {  	lr =	sadd.s32 s0, s3;
	s0 =	sld [smem:$0x3FAD]  }
0x30: {  	s3 =	sld [smem:$0x3FB0]  }
0x31: {  	[smem:$0x3FB9] =	sst s10  }
0x32: {  	s10 =	sld [smem:$0x3FB7];
	_ =	sdelay $0x3  }
0x33: {  	p0 =	seq.s32 s10, $0x1;
	s10 =	sld [smem:$0x3FB9];
	_ =	sdelay $0x3  }
0x34: {  	[smem:$0x3FB9] =	sst s10  }
0x35: {  	s10 =	sld [smem:$0x3FB8];
	_ =	sdelay $0x3  }
0x36: {  	p1 =	seq.s32 s10, $0x1;
	s10 =	sld [smem:$0x3FB9];
	_ =	sdelay $0x3  }
0x37: {  	[smem:$0x3FB9] =	sst s10  }
0x38: {  	s10 =	sld [smem:$0x3FBA]  }
0x39: {  	_ = 	snop;
	(pc) =	sbr.ind lr, $3  }
0x3a: {  	_ = 	snop  }
0x3b: {  	_ = 	snop  }
0x3c: {  	p2 =	seq.s32 s10, $0x1;
	s10 =	sld [smem:$0x3FB9]  }
0x3d: {  	_ =	shalt  }
0x3e: {  	_ =	shalt  }
0x3f: {  	_ =	shalt  }
0x40: {  	_ =	shalt  }
0x41: {  	_ =	shalt  }
0x42: {  	_ =	shalt  }
0x43: {  	_ =	shalt  }
0x44: {  	_ =	shalt  }
0x45: {  	_ =	shalt  }
0x46: {  	_ =	shalt  }
0x47: {  	_ =	shalt  }
0x48: {  	_ =	shalt  }
0x49: {  	_ =	shalt  }
0x4a: {  	_ =	shalt  }
0x4b: {  	_ =	shalt  }
0x4c: {  	_ =	shalt  }
0x4d: {  	_ =	shalt  }
0x4e: {  	_ =	shalt  }
0x4f: {  	_ =	shalt  }
0x50: {  	_ =	shalt  }
0x51: {  	_ =	shalt  }
0x52: {  	_ =	shalt  }
0x53: {  	_ =	shalt  }
0x54: {  	_ =	shalt  }
0x55: {  	_ =	shalt  }
0x56: {  	_ =	shalt  }
0x57: {  	_ =	shalt  }
0x58: {  	_ =	shalt  }
0x59: {  	_ =	shalt  }
0x5a: {  	_ =	shalt  }
0x5b: {  	_ =	shalt  }
0x5c: {  	_ =	shalt  }
0x5d: {  	_ =	shalt  }
0x5e: {  	_ =	shalt  }
0x5f: {  	_ =	shalt  }
0x60: {  	_ =	shalt  }
0x61: {  	_ =	shalt  }
0x62: {  	_ =	shalt  }
0x63: {  	_ =	shalt  }
0x64: {  	_ =	shalt  }
0x65: {  	_ =	shalt  }
0x66: {  	_ =	shalt  }
0x67: {  	_ =	shalt  }
0x68: {  	_ =	shalt  }
0x69: {  	_ =	shalt  }
0x6a: {  	_ =	shalt  }
0x6b: {  	_ =	shalt  }
0x6c: {  	_ =	shalt  }
0x6d: {  	_ =	shalt  }
0x6e: {  	_ =	shalt  }
0x6f: {  	_ =	shalt  }
0x70: {  	_ =	shalt  }
0x71: {  	_ =	shalt  }
0x72: {  	_ =	shalt  }
0x73: {  	_ =	shalt  }
0x74: {  	_ =	shalt  }
0x75: {  	_ =	shalt  }
0x76: {  	_ =	shalt  }
0x77: {  	_ =	shalt  }
0x78: {  	_ =	shalt  }
0x79: {  	_ =	shalt  }
0x7a: {  	_ =	shalt  }
0x7b: {  	_ =	shalt  }
0x7c: {  	_ =	shalt  }
0x7d: {  	_ =	shalt  }
0x7e: {  	_ =	shalt  }
0x7f: {  	_ =	shalt  }
0x80: {  	_ =	shalt  }
0x81: {  	_ =	shalt  }
0x82: {  	_ =	shalt  }
0x83: {  	_ =	shalt  }
0x84: {  	_ =	shalt  }
0x85: {  	_ =	shalt  }
0x86: {  	_ =	shalt  }
0x87: {  	_ =	shalt  }
.Lfunc_end0:
.L_simem_size_0:
called_computation_lowered:
.L_overlay_start_0:
0x88: {  	s2 =	sld [smem:$0x3FD9]  }
0x89: {  	s3 =	sld [smem:$0x3FFE];
	_ =	sdelay $0x1  }
0x8a: {  	s1 =	srdreg.scid  }
0x8b: {  	s0 =	sand.u32 $0x1, s1  }
0x8c: {  	s14 =	sshll.u32 s0, $0xA;
	s2 =	sadd.s32 s3, s2  }
0x8d: {  	s2 =	sadd.s32 s2, s14  }
0x8e: {  	[smem:$0x3FC5] =	sst s2  }
0x8f: {  	_ = 	snop  }
0x90: {  	s2 =	sld [smem:$0x3FD0];
	_ =	sdelay $0x2  }
0x91: {  	s15 =	simm.s32 $0xA;
	s4 =	simm.s32 $0x10  }
0x92: {  	[smem:s4], [sflag:s15] =	dma.local [hbm:s2], $0x1  }
0x93: {  	_ =	swait.eq [sflag:s15], $0x1  }
0x94: {  	[sflag:s15] =	ssyncset.done $0x0  }
0x95: {  	[sflag:s15] =	ssyncadd.s32 $0xFFFFFFFF  }
0x96: {  	s16 =	sld [smem:$0x10];
	(tm) =	ssettm $0x1  }
0x97: {  	s17 =	sld [smem:$0x3FFB];
	_ =	sdelay $0x3  }
0x98: {  	_ =	strace s17  }
0x99: {  	s3 =	sld [smem:$0x3FFC];
	_ =	sdelay $0x3  }
0x9a: {  	_ =	strace s3  }
0x9b: {  	s3 =	sld [smem:$0x3FFD];
	_ =	sdelay $0x3  }
0x9c: {  	_ =	strace s3  }
0x9d: {  	_ =	strace $0x8FFFFFFF  }
0x9e: {  	s18 =	sld [smem:$0x3FDB];
	_ =	sdelay $0x1  }
0x9f: {  	s19 =	simm.s32 $_scs_section_size  }
0xa0: {  	s5 =	simm.s32 $_size__tile_overlayer_lowered;
	s6 =	simm.s32 $_tile_overlayer_lowered  }
0xa1: {  	s22 =	simm.s32 $0x1BFF;
	s21 =	sshll.u32 s6, $0x1;
	s3 =	sadd.s32 s19, s18  }
0xa2: {  	s7 =	simm.s32 $0x0;
	s20 =	sshll.u32 s5, $0x1;
	s5 =	sadd.s32 s21, s3  }
0xa3: {  	[timem:s7], [sflag:s22] =	dma.local [hbm:s5], s20  }
0xa4: {  	_ =	swait.ge [sflag:s22], s20  }
0xa5: {  	s4 =	ssub.s32 $0x0, s20;
	[sflag:s22] =	ssyncset.done $0x0  }
0xa6: {  	[sflag:s22] =	ssyncadd.s32 s4;
	_ =	sdelay $0x1  }
0xa7: {  	s23 =	simm.s32 $0x1B8B  }
0xa8: {  	_ =	swait.ge [sflag:s23], $0x1  }
0xa9: {  	[sflag:s23] =	ssyncset.done $0x0  }
0xaa: {  	s25 =	simm.s32 $0x1B8E;
	s24 =	sld [smem:$0x3FFE];
	[sflag:s23] =	ssyncadd.s32 $0xFFFFFFFF  }
0xab: {  	s26 =	simm.s32 $execute0_lowered;
	[smem:$0x3FD2] =	sst s25  }
0xac: {  	s5 =	sshll.u32 s26, $0x1;
	_ =	strace $0x80000046;
	[dreg:$0x1] =	wrdreg $0xFFFFFFFF  }
0xad: {  	s28 =	simm.s32 $_size_execute0_lowered;
	s3 =	sadd.s32 s3, s5;
	[dreg:$0x0] =	wrdreg $0x0  }
0xae: {  	s5 =	sshll.u32 s28, $0x1;
	[dreg:$0x2] =	wrdreg s3  }
0xaf: {  	[dreg:$0x3] =	wrdreg s5  }
0xb0: {  	[dreg:$0x4] =	wrdreg $0xC0  }
0xb1: {  	_ =	task [dreg:s7], $0x5FFFF  }
0xb2: {  	[dreg:$0x1] =	wrdreg $0xFFFFFFFF  }
0xb3: {  	[dreg:$0x0] =	wrdreg $0x60  }
0xb4: {  	[dreg:$0x2] =	wrdreg s24  }
0xb5: {  	[dreg:$0x3] =	wrdreg s16  }
0xb6: {  	[dreg:$0x4] =	wrdreg $0x9  }
0xb7: {  	_ =	task.clear_ibuf [dreg:s7], $0x5FFFF;
	_ =	strace $0x90000046  }
0xb8: {  	s29 =	simm.s32 $0x9;
	_ =	strace $0x80000048  }
0xb9: {  	_ =	swait.ge [sflag:s29], $0x1  }
0xba: {  	[sflag:s29] =	ssyncadd.s32 $0xFFFFFFFF  }
0xbb: {  	_ =	strace $0x90000048  }
0xbc: {  	_ =	sfence  }
0xbd: {  	s30 =	sld [smem:$0x0];
	_ =	sdelay $0x2  }
0xbe: {  	s31 =	sshll.u32 s1, $0xD;
	s1 =	sshrl.u32 s1, $0x2  }
0xbf: {  	s3 =	sand.u32 $0x4000, s31;
	s1 =	sadd.s32 s1, s30  }
0xc0: {  	s0 =	sor.u32 s3, s0;
	s1 =	sshll.u32 s1, $0x11  }
0xc1: {  	s0 =	sor.u32 s1, s0  }
0xc2: {  	s0 =	sadd.s32 $0x8F2B, s0  }
0xc3: {  	[sflag:s0] =	ssyncadd.remote.s32 $0x1  }
0xc4: {  	_ =	sfence.sel $0xFFFF  }
0xc5: {  	[dreg:$0x0] =	wrdreg $0xFFFFFFFF;
	(pc) =	sbr.abs _section_cstart, $3  }
0xc6: {  	[dreg:$0x1] =	wrdreg $0xFFFFFFFF  }
0xc7: {  	_ =	task.clear_ibuf [dreg:s7], $0x2FFFF;
	_ =	strace $0x9FFFFFFF  }
0xc8: {  	(tm) =	ssettm $0x7FFFFFFF  }
0xc9: {  	_ =	shalt  }
tec
execute0_lowered:
.L_overlay_start_1:
0x0: {  	(tag) =	ssettag $0x1  }
0x1: {  	s4 =	rddreg [dreg:$0x0]  }
0x2: {  	s5 =	rddreg [dreg:$0x1]  }
0x3: {  	s0 =	rddreg [dreg:$0x2];
	s2 =	simm.s32 $0x0;
	s3 =	srdreg.scid  }
0x4: {  	s1 =	stileid.u32;
	s11 =	simm.s32 $0x80;
	s12 =	simm.s32 $0x100  }
0x5: {  	s13 =	simm.s32 $0x4100;
	s14 =	simm.s32 $0x8100;
	s15 =	simm.s32 $0x10100  }
0x6: {  	s16 =	simm.s32 $0x1;
	s17 =	simm.s32 $0x18100;
	s18 =	simm.s32 $0x0  }
0x7: {  	[smem:$0x7FF] =	sst s2;
	s6 =	sand.u32 $0x1, s3;
	s30 =	sshll.u32 s1, $0x1  }
0x8: {  	s3 =	sadd.s32 $0x40800, s4;
	_ =	strace $0x80000047;
	s7 =	sor.u32 s6, s30  }
0x9: {  	s6 =	ssub.s32 $0x2, s6;
	s8 =	sshll.u32 s7, $0xC;
	s9 =	sshll.u32 s7, $0x4  }
0xa: {  	s10 =	sshrl.u32 s6, $0x1;
	s31 =	sshll.u32 s7, $0x5;
	s8 =	sadd.s32 s8, s4  }
0xb: {  	s9 =	sadd.s32 s9, s4;
	s10 =	ssub.s32 s6, s10;
	s4 =	sadd.s32 s5, s31  }
0xc: {  	s5 =	sadd.s32 $0x800, s8;
	s6 =	sadd.s32 $0x20800, s8;
	s7 =	sadd.s32 $0x60A00, s8  }
0xd: {  	s8 =	sadd.s32 $0x60800, s9;
	s9 =	smax.u32 s10, $0x1;
	s10 =	simm.s32 $0x2  }
.LBB2_1:
0xe: {  	[tilespmem:s2], [sflag:$0x2] =	stream.linear.gather [hbm4b:s4+s2], $0x100, $0x38;
	[tilespmem:$0x18180] =	vst v63  }
0xf: {  	_ =	swait.ge [sflag:s10], $0x100  }
0x10: {  	[sflag:s10] =	ssyncset.done $0x0  }
0x11: {  	[sflag:s10] =	ssyncadd.s32 $0xFFFFFF00  }
0x12: {  	[tilespmem:s12], [sflag:$0x1] =	stream.indirect.gather [hbm4b:s3+s11], $0x80, s2, s11, $0xb8;
	[tilespmem:$0x18180] =	vst v63  }
0x13: {  	_ = 	snop  }
0x14: {  	[tilespmem:s13], [sflag:$0x1] =	stream.indirect.gather [hbm4b:s3+s11], $0x80, s11, s11, $0xb8;
	[tilespmem:$0x18180] =	vst v63  }
0x15: {  	_ = 	snop  }
0x16: {  	[tilespmem:s14], [sflag:$0x2] =	stream.linear.gather [hbm4b:s5+s2], $0x8000, $0x38;
	[tilespmem:$0x18180] =	vst v63  }
0x17: {  	_ =	swait.ge [sflag:s10], $0x8000  }
0x18: {  	[sflag:s10] =	ssyncset.done $0x0  }
0x19: {  	[sflag:s10] =	ssyncadd.s32 $0xFFFF8000  }
0x1a: {  	[tilespmem:s15], [sflag:$0x2] =	stream.linear.gather [hbm4b:s6+s2], $0x8000, $0x38;
	[tilespmem:$0x18180] =	vst v63  }
0x1b: {  	_ =	swait.ge [sflag:s10], $0x8000  }
0x1c: {  	[sflag:s10] =	ssyncset.done $0x0  }
0x1d: {  	[sflag:s10] =	ssyncadd.s32 $0xFFFF8000  }
0x1e: {  	_ =	swait.ge [sflag:s16], $0x4000  }
0x1f: {  	[sflag:s16] =	ssyncset.done $0x0  }
0x20: {  	[sflag:s16] =	ssyncadd.s32 $0xFFFFC000  }
0x21: {  	_ =	swait.ge [sflag:s16], $0x4000  }
0x22: {  	[sflag:s16] =	ssyncset.done $0x0  }
0x23: {  	s20 =	simm.s32 $0x0;
	[sflag:s16] =	ssyncadd.s32 $0xFFFFC000  }
0x24: {  	v4 =	vld [tilespmem:s20+$0x100]  }
0x25: {  	v3 =	vld [tilespmem:s20+$0x8110]  }
0x26: {  	v5 =	vld [tilespmem:s20+$0x8100]  }
0x27: {  	v6 =	vld [tilespmem:s20+$0x10100]  }
0x28: {  	v7 =	vld [tilespmem:s20+$0x10110]  }
0x29: {  	v8 =	vld [tilespmem:s20+$0x110];
	_ =	sdelay $0x1  }
0x2a: {  	s19 =	simm.s32 $0x80  }
0x2b: {  	v0 =	vld [tilespmem:s19+$0x110]  }
0x2c: {  	v2 =	vld [tilespmem:s19+$0x100];
	v9 =	vadd.f32 v6, v4;
	v5 =	vsub.f32 v5, v6  }
0x2d: {  	v1 =	vld [tilespmem:s19+$0x8110];
	v6 =	vsub.f32 v3, v7;
	v7 =	vadd.f32 v7, v8  }
0x2e: {  	v3 =	vld [tilespmem:s19+$0x8100];
	[tilespmem:s20+$0x10100] =	vst v9;
	v9 =	vsub.f32 v5, v4  }
0x2f: {  	v6 =	vsub.f32 v6, v8;
	v4 =	vld [tilespmem:s19+$0x10100];
	[tilespmem:s20+$0x10110] =	vst v7  }
0x30: {  	v5 =	vld [tilespmem:s19+$0x10110];
	v8 =	vmul.f32 v9, v9  }
0x31: {  	s21 =	simm.s32 $0x600;
	v7 =	vimm.f32 $0.0e+00;
	s20 =	simm.s32 $0x400;
	v6 =	vmul.f32 v6, v6  }
.LBB2_2:
0x32: {  	p0 =	sne.s32 s21, $0x1FE00;
	s22 =	sshra.s32 s20, $0x2;
	v7 =	vadd.f32 v8, v7;
	s20 =	smov.u32 s21  }
0x33: {  	v9 =	vld [tilespmem:s22+$0x110]  }
0x34: {  	v10 =	vld [tilespmem:s22+$0x100];
	v8 =	vsub.f32 v3, v4;
	v4 =	vadd.f32 v4, v2  }
.Ltmp0:
0x35: {  	v11 =	vsub.f32 v1, v5;
	v1 =	vld [tilespmem:s22+$0x8110];
	v5 =	vadd.f32 v5, v0;
	(pc) =	sbr.rel @p0 .LBB2_2-.Ltmp0, $4  }
0x36: {  	v7 =	vadd.f32 v6, v7;
	v3 =	vld [tilespmem:s22+$0x8100];
	v12 =	vsub.f32 v8, v2;
	[tilespmem:s19+$0x10100] =	vst v4  }
0x37: {  	v4 =	vld [tilespmem:s22+$0x10100];
	v6 =	vsub.f32 v11, v0;
	[tilespmem:s19+$0x10110] =	vst v5;
	s19 =	smov.u32 s22  }
0x38: {  	v5 =	vld [tilespmem:s19+$0x10110];
	v8 =	vmul.f32 v12, v12;
	v0 =	vmov v9  }
0x39: {  	s21 =	sadd.s32 $0x200, s21;
	v6 =	vmul.f32 v6, v6;
	v2 =	vmov v10  }
0x3a: {  	s20 =	sshra.s32 s20, $0x2  }
0x3b: {  	v9 =	vld [tilespmem:s20+$0x110]  }
0x3c: {  	v10 =	vld [tilespmem:s20+$0x100];
	v11 =	vadd.f32 v4, v2  }
0x3d: {  	v12 =	vld [tilespmem:s20+$0x8110]  }
0x3e: {  	v13 =	vld [tilespmem:s20+$0x8100];
	v54 =	vadd.f32 v5, v0;
	[tilespmem:s19+$0x10100] =	vst v11  }
0x3f: {  	v3 =	vsub.f32 v3, v4;
	v55 =	vld [tilespmem:s20+$0x10100]  }
0x40: {  	[tilespmem:s19+$0x10110] =	vst v54  }
0x41: {  	v7 =	vadd.f32 v8, v7;
	v56 =	vsub.f32 v3, v2;
	v57 =	vld [tilespmem:s20+$0x10110]  }
0x42: {  	v1 =	vsub.f32 v1, v5  }
0x43: {  	v58 =	vadd.f32 v6, v7;
	v2 =	vmul.f32 v56, v56  }
0x44: {  	v59 =	vsub.f32 v1, v0;
	v60 =	vsub.f32 v13, v55  }
0x45: {  	v2 =	vadd.f32 v2, v58  }
0x46: {  	v0 =	vmul.f32 v59, v59;
	v61 =	vsub.f32 v12, v57;
	v1 =	vsub.f32 v60, v10;
	_ =	sdelay $0x1  }
0x47: {  	v0 =	vadd.f32 v0, v2;
	v62 =	vsub.f32 v61, v9;
	v1 =	vmul.f32 v1, v1;
	_ =	sdelay $0x1  }
0x48: {  	v4 =	vadd.f32 v55, v10;
	v2 =	vmul.f32 v62, v62;
	v0 =	vadd.f32 v1, v0  }
0x49: {  	v63 =	vadd.f32 v57, v9  }
0x4a: {  	[tilespmem:s20+$0x10100] =	vst v4;
	v0 =	vadd.f32 v2, v0  }
0x4b: {  	[tilespmem:s20+$0x10110] =	vst v63  }
0x4c: {  	[tilespmem:$0x18100] =	vst v0  }
0x4d: {  	[hbm4b:s7+s2] =	stream.linear.scatter [tilespmem:s15], [sflag:$0x2], $0x8000, $0x38;
	[tilespmem:$0x18180] =	vst v63  }
0x4e: {  	s18 =	sadd.s32 $0x1, s18;
	_ =	swait.ge [sflag:s10], $0x8000  }
0x4f: {  	p0 =	sne.s32 s18, s9;
	[sflag:s10] =	ssyncset.done $0x0  }
.Ltmp1:
0x50: {  	[sflag:s10] =	ssyncadd.s32 $0xFFFF8000;
	(pc) =	sbr.rel @p0 .LBB2_1-.Ltmp1, $4  }
0x51: {  	[hbm4b:s8+s2] =	stream.linear.scatter [tilespmem:s17], [sflag:$0x2], $0x80, $0x38;
	[tilespmem:$0x18180] =	vst v63  }
0x52: {  	_ =	swait.ge [sflag:s10], $0x80  }
0x53: {  	[sflag:s10] =	ssyncset.done $0x0  }
0x54: {  	[sflag:s10] =	ssyncadd.s32 $0xFFFFFF80  }
0x55: {  	_ =	sfence.sel $0x180000  }
0x56: {  	[bflag:$0x0] =	sbarrier.arrive $0xFFFF  }
0x57: {  	p0 =	sne.s32 s1, $0x0;
	_ =	strace $0x90000047  }
0x58: {  	s0 =	sadd.s32 @!p0 $0x100000, s0;
	[bflag:$0x2] =	sbarrier.arrive $0xFFFF  }
0x59: {  	[sflag:s0] =	ssyncadd.tile.s32 @!p0 $0x1;
	_ =	shalt  }
.Lfunc_end2:
_tile_overlayer_lowered:
.L_overlay_start_2:
0x5a: {  	(tag) =	ssettag $0x2  }
0x5b: {  	s0 =	rddreg [dreg:$0x0];
	s2 =	stileid.u32  }
0x5c: {  	s1 =	rddreg [dreg:$0x1];
	p0 =	sne.s32 s2, $0x0  }
0x5d: {  	s3 =	rddreg [dreg:$0x2];
	[bflag:$0x3] =	sbarrier.arrive $0xFFFF;
	s2 =	simm.s32 @!p0 $0x1C02  }
0x5e: {  	[timem:s3], [sflag:s2] =	dma.local @!p0 [hbm:s0], s1  }
0x5f: {  	s0 =	simm.s32 @!p0 $0x2  }
0x60: {  	_ =	swait.ge @!p0 [sflag:s0], s1  }
0x61: {  	s1 =	ssub.s32 @!p0 $0x0, s1;
	[sflag:s0] =	ssyncset.done @!p0 $0x0  }
0x62: {  	[sflag:s0] =	ssyncadd.s32 @!p0 s1  }
0x63: {  	[bflag:$0x3] =	sbarrier.arrive $0xFFFF  }
0x64: {  	_ =	shalt  }

</sc_bundles>
